<compile_context>
chip_gen: v7x
topology: tpu7x:2x2x1
jax: 0.10.2.dev20260603
libtpu: 0.0.44.dev20260713+nightly
codegen_flags: <defaults>
</compile_context>

<pallas_src>
import jax
import jax.numpy as jnp
from jax import lax
from jax.experimental import pallas as pl
from jax.experimental.pallas import tpu as pltpu
from jax.experimental.pallas import tpu_sc as plsc

_CLS = 1
_B = 16
_L = 4096
_W = _L + 1
_NTOT = _B * _W
_NIN = _B * _L
_LANES = 16
_PIECE = 2048
_CHUNKS = _PIECE // _LANES
_TAIL = _NTOT - 32 * _PIECE
_VIN = _PIECE + 32


def _body(values_hbm, lengths_hbm, out_hbm, newlen_hbm, lens_v, vin, vpiece,
          newlen_v, sem):
    c = lax.axis_index("c")
    s = lax.axis_index("s")
    iota = lax.iota(jnp.int32, _LANES)

    o0 = (c * _LANES + s) * _PIECE
    r0 = o0 // _W
    a_raw = o0 - r0 - 1
    a0 = jnp.clip((a_raw // 8) * 8, 0, _NIN - _VIN)
    a0 = pl.multiple_of(a0, 8)

    cp1 = pltpu.make_async_copy(lengths_hbm, lens_v, sem)
    cp1.start()
    cp2 = pltpu.make_async_copy(values_hbm.at[pl.ds(a0, _VIN)], vin, sem)
    cp2.start()
    cp1.wait()
    cp2.wait()

    lens = lens_v[...]

    def splat(idx):
        return lax.gather(
            lens, jnp.full((_LANES, 1), idx, jnp.int32),
            dimension_numbers=lax.GatherDimensionNumbers(
                offset_dims=(), collapsed_slice_dims=(0,), start_index_map=(0,)),
            slice_sizes=(1,),
            mode=lax.GatherScatterMode.PROMISE_IN_BOUNDS,
        )

    rb = (r0 + 1) * _W
    len0 = splat(r0)
    len1 = splat(jnp.minimum(r0 + 1, _B - 1))
    rbv = iota * 0 + rb
    z0 = r0 * _W + len0 + 1
    z1 = rb + len1 + 1
    c1 = -r0 - 1 - a0

    kk0 = o0 + iota

    @plsc.parallel_loop(0, _CHUNKS + 1, unroll=4)
    def _(i):
        kk = kk0 + i * _LANES
        m2 = kk >= rbv
        sl = jnp.maximum(kk + c1 - m2.astype(jnp.int32), 0)
        g = plsc.load_gather(vin, [sl])
        valid = (kk < z0) | (m2 & (kk < z1))
        vpiece[pl.ds(i * _LANES, _LANES)] = jnp.where(valid, g, 0)

    cls_vec = jnp.full((_LANES,), _CLS, jnp.int32)
    lane0 = iota == 0

    @pl.when(o0 == 0)
    def _():
        plsc.store_scatter(vpiece, [iota * 0], cls_vec, mask=lane0)

    rb_local = rb - o0

    @pl.when(rb_local < _PIECE + _TAIL)
    def _():
        plsc.store_scatter(vpiece, [iota * 0 + rb_local], cls_vec, mask=lane0)

    last = jnp.logical_and(c == 1, s == _LANES - 1)

    @pl.when(last)
    def _():
        pltpu.sync_copy(vpiece, out_hbm.at[pl.ds(o0, _PIECE + _TAIL)])

    @pl.when(jnp.logical_not(last))
    def _():
        pltpu.sync_copy(vpiece.at[pl.ds(0, _PIECE)],
                        out_hbm.at[pl.ds(o0, _PIECE)])

    @pl.when(jnp.logical_and(s == 0, c == 0))
    def _():
        newlen_v[...] = lens + 1
        pltpu.sync_copy(newlen_v, newlen_hbm)


@jax.jit
def _prepend_cls(values_flat, lengths):
    mesh = plsc.VectorSubcoreMesh(core_axis_name="c", subcore_axis_name="s")
    f = pl.kernel(
        _body,
        out_type=(
            jax.ShapeDtypeStruct((_NTOT,), jnp.int32),
            jax.ShapeDtypeStruct((_B,), jnp.int32),
        ),
        mesh=mesh,
        compiler_params=pltpu.CompilerParams(needs_layout_passes=False,
                                             skip_device_barrier=True),
        scratch_types=[
            pltpu.VMEM((_LANES,), jnp.int32),
            pltpu.VMEM((_VIN,), jnp.int32),
            pltpu.VMEM((_PIECE + _TAIL,), jnp.int32),
            pltpu.VMEM((_LANES,), jnp.int32),
            pltpu.SemaphoreType.DMA,
        ],
    )
    return f(values_flat, lengths)


def kernel(values, lengths):
    v = values.astype(jnp.int32).reshape(_NIN)
    l = lengths.astype(jnp.int32)
    out_flat, new_lengths = _prepend_cls(v, l)
    out = out_flat.reshape(_B, _W).astype(values.dtype)
    return out, new_lengths.astype(lengths.dtype)

# --- scband reference (transcript-rebuilt; emitter-appended) ---
"""Pipeline reference for scband-prepend-cls-25434796327307 (READ-ONLY COPY).

The authoritative reference and input builder live on the scoring server;
editing this copy changes nothing except your own understanding.
"""

import jax, jax.numpy as jnp
import numpy as np

CLS = 1  # Vocab.special2index('<cls>')


def setup_inputs(seed: int = 0) -> dict:
    key = jax.random.key(seed)
    k1, k2 = jax.random.split(key)
    B, L = 16, 4096
    values = jax.random.randint(k1, (B, L), 0, 32000, dtype=jnp.int64)
    lengths = jax.random.randint(k2, (B,), 1, 4096, dtype=jnp.int64)
    return {"values": values, "lengths": lengths}


def reference(values, lengths):
    # Equivalent of: pad_packed_sequence -> prepend CLS per sequence -> pack_sequence.
    # We represent the (un/re)packed sequence in padded form (values, lengths),
    # which is the canonical dense equivalent of a PackedSequence.
    B, L = values.shape
    pos = jnp.arange(L, dtype=lengths.dtype)[None, :]
    mask = pos < lengths[:, None]
    # zero out padding (PackedSequence padding is 0 after pad_packed_sequence)
    vals = jnp.where(mask, values, 0)
    cls_col = jnp.full((B, 1), CLS, dtype=values.dtype)
    out = jnp.concatenate([cls_col, vals], axis=1)  # [B, L+1]
    new_lengths = lengths + 1
    return out, new_lengths

if __name__ == "__main__":
    import jax
    _d = setup_inputs()
    print(jax.jit(kernel)(*tuple(_d.values())))

</pallas_src>

<mosaic_0001>
#map = affine_map<(d0, d1) -> (0)>
module attributes {stable_mosaic.version = 14 : i64} {
  func.func @_body(%arg0: i32, %arg1: i32, %arg2: memref<65536xi32, #tpu.memory_space<hbm>>, %arg3: memref<16xi32, #tpu.memory_space<hbm>>, %arg4: memref<65552xi32, #tpu.memory_space<hbm>>, %arg5: memref<16xi32, #tpu.memory_space<hbm>>, %arg6: memref<16xi32, #tpu.memory_space<vmem>>, %arg7: memref<2080xi32, #tpu.memory_space<vmem>>, %arg8: memref<2064xi32, #tpu.memory_space<vmem>>, %arg9: memref<16xi32, #tpu.memory_space<vmem>>, %arg10: memref<!tpu.dma_semaphore, #tpu.memory_space<semaphore_mem>>) attributes {dimension_semantics = [#tpu.dimension_semantics<core_parallel>, #tpu.dimension_semantics<subcore_parallel>], iteration_bounds = array<i64: 2, 16>, scalar_prefetch = 0 : i64, scratch_operands = 5 : i64, tpu.core_type = #tpu.core_type<sc_vector_subcore>, window_params = [{transform_indices = #map}, {transform_indices = #map}, {transform_indices = #map}, {transform_indices = #map}]} {
    %iota3A = tpu.iota {dimensions = array<i32: 0>} : vector<16xi32>
    %mul3A = arith.constant 16 : i32
    %mul3A_0 = arith.muli %arg0, %mul3A : i32
    %add3A = arith.addi %mul3A_0, %arg1 : i32
    %mul3A_1 = arith.constant 2048 : i32
    %mul3A_2 = arith.muli %add3A, %mul3A_1 : i32
    %jit3A = arith.constant 4097 : i32
    %div3A = arith.divsi %mul3A_2, %jit3A : i32
    %sign3A = arith.constant 0 : i32
    %sign3A_3 = arith.cmpi sgt, %mul3A_2, %sign3A : i32
    %sign3A_4 = arith.extui %sign3A_3 : i1 to i32
    %sign3A_5 = arith.constant 0 : i32
    %sign3A_6 = arith.cmpi slt, %mul3A_2, %sign3A_5 : i32
    %sign3A_7 = arith.extui %sign3A_6 : i1 to i32
    %sign3A_8 = arith.subi %sign3A_4, %sign3A_7 : i32
    %sign3A_9 = arith.constant 0 : i32
    %sign3A_10 = arith.cmpi sgt, %jit3A, %sign3A_9 : i32
    %sign3A_11 = arith.extui %sign3A_10 : i1 to i32
    %sign3A_12 = arith.constant 0 : i32
    %sign3A_13 = arith.cmpi slt, %jit3A, %sign3A_12 : i32
    %sign3A_14 = arith.extui %sign3A_13 : i1 to i32
    %sign3A_15 = arith.subi %sign3A_11, %sign3A_14 : i32
    %ne3A = arith.cmpi ne, %sign3A_8, %sign3A_15 : i32
    %rem3A = arith.remsi %mul3A_2, %jit3A : i32
    %ne3A_16 = arith.constant 0 : i32
    %ne3A_17 = arith.cmpi ne, %rem3A, %ne3A_16 : i32
    %and3A = arith.andi %ne3A, %ne3A_17 : i1
    %sub3A = arith.constant 1 : i32
    %sub3A_18 = arith.subi %div3A, %sub3A : i32
    %select_n3A = arith.select %and3A, %sub3A_18, %div3A : i32
    %sub3A_19 = arith.subi %mul3A_2, %select_n3A : i32
    %sub3A_20 = arith.constant 1 : i32
    %sub3A_21 = arith.subi %sub3A_19, %sub3A_20 : i32
    %jit3A_22 = arith.constant 8 : i32
    %div3A_23 = arith.divsi %sub3A_21, %jit3A_22 : i32
    %sign3A_24 = arith.constant 0 : i32
    %sign3A_25 = arith.cmpi sgt, %sub3A_21, %sign3A_24 : i32
    %sign3A_26 = arith.extui %sign3A_25 : i1 to i32
    %sign3A_27 = arith.constant 0 : i32
    %sign3A_28 = arith.cmpi slt, %sub3A_21, %sign3A_27 : i32
    %sign3A_29 = arith.extui %sign3A_28 : i1 to i32
    %sign3A_30 = arith.subi %sign3A_26, %sign3A_29 : i32
    %sign3A_31 = arith.constant 0 : i32
    %sign3A_32 = arith.cmpi sgt, %jit3A_22, %sign3A_31 : i32
    %sign3A_33 = arith.extui %sign3A_32 : i1 to i32
    %sign3A_34 = arith.constant 0 : i32
    %sign3A_35 = arith.cmpi slt, %jit3A_22, %sign3A_34 : i32
    %sign3A_36 = arith.extui %sign3A_35 : i1 to i32
    %sign3A_37 = arith.subi %sign3A_33, %sign3A_36 : i32
    %ne3A_38 = arith.cmpi ne, %sign3A_30, %sign3A_37 : i32
    %rem3A_39 = arith.remsi %sub3A_21, %jit3A_22 : i32
    %ne3A_40 = arith.constant 0 : i32
    %ne3A_41 = arith.cmpi ne, %rem3A_39, %ne3A_40 : i32
    %and3A_42 = arith.andi %ne3A_38, %ne3A_41 : i1
    %sub3A_43 = arith.constant 1 : i32
    %sub3A_44 = arith.subi %div3A_23, %sub3A_43 : i32
    %select_n3A_45 = arith.select %and3A_42, %sub3A_44, %div3A_23 : i32
    %mul3A_46 = arith.constant 8 : i32
    %mul3A_47 = arith.muli %select_n3A_45, %mul3A_46 : i32
    %jit3A_48 = arith.constant 0 : i32
    %jit3A_49 = arith.constant 63456 : i32
    %max3A = arith.maxsi %jit3A_48, %mul3A_47 : i32
    %min3A = arith.minsi %jit3A_49, %max3A : i32
    %multiple_of3A = tpu.assume_multiple %min3A, 8 : i32
    tpu.enqueue_dma source(%arg3 : memref<16xi32, #tpu.memory_space<hbm>>) target(%arg6 : memref<16xi32, #tpu.memory_space<vmem>>) target_semaphore(%arg10 : memref<!tpu.dma_semaphore, #tpu.memory_space<semaphore_mem>>)
    %dma_start3A = tpu.memref_slice %arg2[%multiple_of3A] : memref<65536xi32, #tpu.memory_space<hbm>> -> memref<2080xi32, #tpu.memory_space<hbm>>
    %dma_start3A_50 = tpu.memref_slice %arg2[%multiple_of3A] : memref<65536xi32, #tpu.memory_space<hbm>> -> memref<2080xi32, #tpu.memory_space<hbm>>
    tpu.enqueue_dma source(%dma_start3A_50 : memref<2080xi32, #tpu.memory_space<hbm>>) target(%arg7 : memref<2080xi32, #tpu.memory_space<vmem>>) target_semaphore(%arg10 : memref<!tpu.dma_semaphore, #tpu.memory_space<semaphore_mem>>)
    tpu.wait_dma2 semaphore(%arg10 : memref<!tpu.dma_semaphore, #tpu.memory_space<semaphore_mem>>) src(%arg3 : memref<16xi32, #tpu.memory_space<hbm>>) dst(%arg6 : memref<16xi32, #tpu.memory_space<vmem>>)
    %dma_wait3A = tpu.memref_slice %arg2[%multiple_of3A] : memref<65536xi32, #tpu.memory_space<hbm>> -> memref<2080xi32, #tpu.memory_space<hbm>>
    %dma_wait3A_51 = tpu.memref_slice %arg2[%multiple_of3A] : memref<65536xi32, #tpu.memory_space<hbm>> -> memref<2080xi32, #tpu.memory_space<hbm>>
    tpu.wait_dma2 semaphore(%arg10 : memref<!tpu.dma_semaphore, #tpu.memory_space<semaphore_mem>>) src(%dma_wait3A_51 : memref<2080xi32, #tpu.memory_space<hbm>>) dst(%arg7 : memref<2080xi32, #tpu.memory_space<vmem>>)
    %get3A = arith.constant 0 : index
    %get3A_52 = tpu.vector_load %arg6[%get3A] {strides = array<i32>} : memref<16xi32, #tpu.memory_space<vmem>>, vector<16xi32>,
    %add3A_53 = arith.constant 1 : i32
    %add3A_54 = arith.addi %select_n3A, %add3A_53 : i32
    %mul3A_55 = arith.constant 4097 : i32
    %mul3A_56 = arith.muli %add3A_54, %mul3A_55 : i32
    %broadcast_in_dim3A = vector.broadcast %select_n3A : i32 to vector<16x1xi32>
    %gather3A = vector.shape_cast %broadcast_in_dim3A : vector<16x1xi32> to vector<16xi32>
    %gather3A_57 = tpu.dynamic_gather %get3A_52[%gather3A] in [0] : vector<16xi32>, vector<16xi32> -> vector<16xi32>
    %add3A_58 = arith.constant 1 : i32
    %add3A_59 = arith.addi %select_n3A, %add3A_58 : i32
    %min3A_60 = arith.constant 15 : i32
    %min3A_61 = arith.minsi %add3A_59, %min3A_60 : i32
    %broadcast_in_dim3A_62 = vector.broadcast %min3A_61 : i32 to vector<16x1xi32>
    %gather3A_63 = vector.shape_cast %broadcast_in_dim3A_62 : vector<16x1xi32> to vector<16xi32>
    %gather3A_64 = tpu.dynamic_gather %get3A_52[%gather3A_63] in [0] : vector<16xi32>, vector<16xi32> -> vector<16xi32>
    %mul3A_65 = arith.constant 0 : i32
    %mul3A_66 = vector.broadcast %mul3A_65 : i32 to vector<16xi32>
    %mul3A_67 = arith.muli %iota3A, %mul3A_66 : vector<16xi32>
    %add3A_68 = vector.broadcast %mul3A_56 : i32 to vector<16xi32>
    %add3A_69 = arith.addi %mul3A_67, %add3A_68 : vector<16xi32>
    %mul3A_70 = arith.constant 4097 : i32
    %mul3A_71 = arith.muli %select_n3A, %mul3A_70 : i32
    %add3A_72 = vector.broadcast %mul3A_71 : i32 to vector<16xi32>
    %add3A_73 = arith.addi %add3A_72, %gather3A_57 : vector<16xi32>
    %add3A_74 = arith.constant 1 : i32
    %add3A_75 = vector.broadcast %add3A_74 : i32 to vector<16xi32>
    %add3A_76 = arith.addi %add3A_73, %add3A_75 : vector<16xi32>
    %add3A_77 = vector.broadcast %mul3A_56 : i32 to vector<16xi32>
    %add3A_78 = arith.addi %add3A_77, %gather3A_64 : vector<16xi32>
    %add3A_79 = arith.constant 1 : i32
    %add3A_80 = vector.broadcast %add3A_79 : i32 to vector<16xi32>
    %add3A_81 = arith.addi %add3A_78, %add3A_80 : vector<16xi32>
    %neg3A = arith.constant 0 : i32
    %neg3A_82 = arith.subi %neg3A, %select_n3A : i32
    %sub3A_83 = arith.constant 1 : i32
    %sub3A_84 = arith.subi %neg3A_82, %sub3A_83 : i32
    %sub3A_85 = arith.subi %sub3A_84, %multiple_of3A : i32
    %add3A_86 = vector.broadcast %mul3A_2 : i32 to vector<16xi32>
    %add3A_87 = arith.addi %add3A_86, %iota3A : vector<16xi32>
    %parallel_loop3A = arith.constant 0 : i32
    %parallel_loop3A_88 = arith.constant 129 : i32
    %parallel_loop3A_89 = arith.constant 1 : i32
    scf.for %parallel_loop3A_122 = %parallel_loop3A to %parallel_loop3A_88 step %parallel_loop3A_89  : i32 {
      %parallel_loop3A_123 = arith.constant 16 : i32
      %parallel_loop3A_124 = arith.muli %parallel_loop3A_122, %parallel_loop3A_123 : i32
      %parallel_loop3A_125 = vector.broadcast %parallel_loop3A_124 : i32 to vector<16xi32>
      %parallel_loop3A_126 = arith.addi %add3A_87, %parallel_loop3A_125 : vector<16xi32>
      %parallel_loop3A_127 = arith.cmpi sge, %parallel_loop3A_126, %add3A_69 : vector<16xi32>
      %parallel_loop3A_128 = vector.broadcast %sub3A_85 : i32 to vector<16xi32>
      %parallel_loop3A_129 = arith.addi %parallel_loop3A_126, %parallel_loop3A_128 : vector<16xi32>
      %parallel_loop3A_130 = arith.extui %parallel_loop3A_127 : vector<16xi1> to vector<16xi32>
      %parallel_loop3A_131 = arith.subi %parallel_loop3A_129, %parallel_loop3A_130 : vector<16xi32>
      %parallel_loop3A_132 = arith.constant 0 : i32
      %parallel_loop3A_133 = vector.broadcast %parallel_loop3A_132 : i32 to vector<16xi32>
      %parallel_loop3A_134 = arith.maxsi %parallel_loop3A_131, %parallel_loop3A_133 : vector<16xi32>
      %parallel_loop3A_135 = tpu.vector_load_idx %arg7[%parallel_loop3A_134] : memref<2080xi32, #tpu.memory_space<vmem>>[vector<16xi32>], vector<16xi32>,
      %parallel_loop3A_136 = arith.cmpi slt, %parallel_loop3A_126, %add3A_76 : vector<16xi32>
      %parallel_loop3A_137 = arith.cmpi slt, %parallel_loop3A_126, %add3A_81 : vector<16xi32>
      %parallel_loop3A_138 = arith.andi %parallel_loop3A_127, %parallel_loop3A_137 : vector<16xi1>
      %parallel_loop3A_139 = arith.ori %parallel_loop3A_136, %parallel_loop3A_138 : vector<16xi1>
      %parallel_loop3A_140 = arith.constant 0 : i32
      %parallel_loop3A_141 = vector.broadcast %parallel_loop3A_140 : i32 to vector<16xi32>
      %parallel_loop3A_142 = arith.select %parallel_loop3A_139, %parallel_loop3A_135, %parallel_loop3A_141 : vector<16xi1>, vector<16xi32>
      %parallel_loop3A_143 = arith.constant 16 : i32
      %parallel_loop3A_144 = arith.muli %parallel_loop3A_122, %parallel_loop3A_143 : i32
      %parallel_loop3A_145 = arith.index_cast %parallel_loop3A_144 : i32 to index
      %parallel_loop3A_146 = tpu.vector_load %arg8[%parallel_loop3A_145] {strides = array<i32>} : memref<2064xi32, #tpu.memory_space<vmem>>, vector<16xi32>,
      tpu.vector_store %arg8[%parallel_loop3A_145], %parallel_loop3A_142 {strides = array<i32>} : memref<2064xi32, #tpu.memory_space<vmem>>, vector<16xi32>,
    } {sc.loop_unroll_factor = 4 : i64, sc.parallel_access}
    %broadcast_in_dim3A_90 = arith.constant 1 : i32
    %broadcast_in_dim3A_91 = vector.broadcast %broadcast_in_dim3A_90 : i32 to vector<16xi32>
    %eq3A = arith.constant 0 : i32
    %eq3A_92 = vector.broadcast %eq3A : i32 to vector<16xi32>
    %eq3A_93 = arith.cmpi eq, %iota3A, %eq3A_92 : vector<16xi32>
    %eq3A_94 = arith.constant 0 : i32
    %eq3A_95 = arith.cmpi eq, %mul3A_2, %eq3A_94 : i32
    %convert_element_type3A = arith.extui %eq3A_95 : i1 to i32
    %cond3A = arith.constant 0 : i32
    %cond3A_96 = arith.cmpi ne, %convert_element_type3A, %cond3A : i32
    scf.if %cond3A_96 {
      %mul3A_122 = arith.constant 0 : i32
      %mul3A_123 = vector.broadcast %mul3A_122 : i32 to vector<16xi32>
      %mul3A_124 = arith.muli %iota3A, %mul3A_123 : vector<16xi32>
      tpu.vector_store_idx %arg8[%mul3A_124], %broadcast_in_dim3A_91 masked %eq3A_93 : memref<2064xi32, #tpu.memory_space<vmem>>[vector<16xi32>], vector<16xi32>, vector<16xi1>
    } else {
    }
    %sub3A_97 = arith.subi %mul3A_56, %mul3A_2 : i32
    %lt3A = arith.constant 2064 : i32
    %lt3A_98 = arith.cmpi slt, %sub3A_97, %lt3A : i32
    %convert_element_type3A_99 = arith.extui %lt3A_98 : i1 to i32
    %cond3A_100 = arith.constant 0 : i32
    %cond3A_101 = arith.cmpi ne, %convert_element_type3A_99, %cond3A_100 : i32
    scf.if %cond3A_101 {
      %mul3A_122 = arith.constant 0 : i32
      %mul3A_123 = vector.broadcast %mul3A_122 : i32 to vector<16xi32>
      %mul3A_124 = arith.muli %iota3A, %mul3A_123 : vector<16xi32>
      %add3A_125 = vector.broadcast %sub3A_97 : i32 to vector<16xi32>
      %add3A_126 = arith.addi %mul3A_124, %add3A_125 : vector<16xi32>
      tpu.vector_store_idx %arg8[%add3A_126], %broadcast_in_dim3A_91 masked %eq3A_93 : memref<2064xi32, #tpu.memory_space<vmem>>[vector<16xi32>], vector<16xi32>, vector<16xi1>
    } else {
    }
    %eq3A_102 = arith.constant 1 : i32
    %eq3A_103 = arith.cmpi eq, %arg0, %eq3A_102 : i32
    %eq3A_104 = arith.constant 15 : i32
    %eq3A_105 = arith.cmpi eq, %arg1, %eq3A_104 : i32
    %and3A_106 = arith.andi %eq3A_103, %eq3A_105 : i1
    %convert_element_type3A_107 = arith.extui %and3A_106 : i1 to i32
    %cond3A_108 = arith.constant 0 : i32
    %cond3A_109 = arith.cmpi ne, %convert_element_type3A_107, %cond3A_108 : i32
    scf.if %cond3A_109 {
      "tpu.region"() ({
        %run_scoped3A = tpu.sem_alloc : memref<!tpu.dma_semaphore, #tpu.memory_space<semaphore_mem>>
        %dma_start3A_122 = tpu.memref_slice %arg4[%mul3A_2] : memref<65552xi32, #tpu.memory_space<hbm>> -> memref<2064xi32, #tpu.memory_space<hbm>>
        %dma_start3A_123 = tpu.memref_slice %arg4[%mul3A_2] : memref<65552xi32, #tpu.memory_space<hbm>> -> memref<2064xi32, #tpu.memory_space<hbm>>
        tpu.enqueue_dma source(%arg8 : memref<2064xi32, #tpu.memory_space<vmem>>) target(%dma_start3A_123 : memref<2064xi32, #tpu.memory_space<hbm>>) target_semaphore(%run_scoped3A : memref<!tpu.dma_semaphore, #tpu.memory_space<semaphore_mem>>)
        %dma_wait3A_124 = tpu.memref_slice %arg4[%mul3A_2] : memref<65552xi32, #tpu.memory_space<hbm>> -> memref<2064xi32, #tpu.memory_space<hbm>>
        %dma_wait3A_125 = tpu.memref_slice %arg4[%mul3A_2] : memref<65552xi32, #tpu.memory_space<hbm>> -> memref<2064xi32, #tpu.memory_space<hbm>>
        tpu.wait_dma2 semaphore(%run_scoped3A : memref<!tpu.dma_semaphore, #tpu.memory_space<semaphore_mem>>) src(%arg8 : memref<2064xi32, #tpu.memory_space<vmem>>) dst(%dma_wait3A_125 : memref<2064xi32, #tpu.memory_space<hbm>>)
        tpu.yield
      }) : () -> ()
    } else {
    }
    %not3A = arith.constant true
    %not3A_110 = arith.xori %and3A_106, %not3A : i1
    %convert_element_type3A_111 = arith.extui %not3A_110 : i1 to i32
    %cond3A_112 = arith.constant 0 : i32
    %cond3A_113 = arith.cmpi ne, %convert_element_type3A_111, %cond3A_112 : i32
    scf.if %cond3A_113 {
      "tpu.region"() ({
        %run_scoped3A = tpu.sem_alloc : memref<!tpu.dma_semaphore, #tpu.memory_space<semaphore_mem>>
        %dma_start3A_122 = arith.constant 0 : i32
        %dma_start3A_123 = tpu.memref_slice %arg8[%dma_start3A_122] : memref<2064xi32, #tpu.memory_space<vmem>> -> memref<2048xi32, #tpu.memory_space<vmem>>
        %dma_start3A_124 = tpu.memref_slice %arg4[%mul3A_2] : memref<65552xi32, #tpu.memory_space<hbm>> -> memref<2048xi32, #tpu.memory_space<hbm>>
        %dma_start3A_125 = tpu.memref_slice %arg4[%mul3A_2] : memref<65552xi32, #tpu.memory_space<hbm>> -> memref<2048xi32, #tpu.memory_space<hbm>>
        %dma_start3A_126 = arith.constant 0 : i32
        %dma_start3A_127 = tpu.memref_slice %arg8[%dma_start3A_126] : memref<2064xi32, #tpu.memory_space<vmem>> -> memref<2048xi32, #tpu.memory_space<vmem>>
        tpu.enqueue_dma source(%dma_start3A_127 : memref<2048xi32, #tpu.memory_space<vmem>>) target(%dma_start3A_125 : memref<2048xi32, #tpu.memory_space<hbm>>) target_semaphore(%run_scoped3A : memref<!tpu.dma_semaphore, #tpu.memory_space<semaphore_mem>>)
        %dma_wait3A_128 = arith.constant 0 : i32
        %dma_wait3A_129 = tpu.memref_slice %arg8[%dma_wait3A_128] : memref<2064xi32, #tpu.memory_space<vmem>> -> memref<2048xi32, #tpu.memory_space<vmem>>
        %dma_wait3A_130 = tpu.memref_slice %arg4[%mul3A_2] : memref<65552xi32, #tpu.memory_space<hbm>> -> memref<2048xi32, #tpu.memory_space<hbm>>
        %dma_wait3A_131 = tpu.memref_slice %arg4[%mul3A_2] : memref<65552xi32, #tpu.memory_space<hbm>> -> memref<2048xi32, #tpu.memory_space<hbm>>
        %dma_wait3A_132 = arith.constant 0 : i32
        %dma_wait3A_133 = tpu.memref_slice %arg8[%dma_wait3A_132] : memref<2064xi32, #tpu.memory_space<vmem>> -> memref<2048xi32, #tpu.memory_space<vmem>>
        tpu.wait_dma2 semaphore(%run_scoped3A : memref<!tpu.dma_semaphore, #tpu.memory_space<semaphore_mem>>) src(%dma_wait3A_133 : memref<2048xi32, #tpu.memory_space<vmem>>) dst(%dma_wait3A_131 : memref<2048xi32, #tpu.memory_space<hbm>>)
        tpu.yield
      }) : () -> ()
    } else {
    }
    %eq3A_114 = arith.constant 0 : i32
    %eq3A_115 = arith.cmpi eq, %arg1, %eq3A_114 : i32
    %eq3A_116 = arith.constant 0 : i32
    %eq3A_117 = arith.cmpi eq, %arg0, %eq3A_116 : i32
    %and3A_118 = arith.andi %eq3A_115, %eq3A_117 : i1
    %convert_element_type3A_119 = arith.extui %and3A_118 : i1 to i32
    %cond3A_120 = arith.constant 0 : i32
    %cond3A_121 = arith.cmpi ne, %convert_element_type3A_119, %cond3A_120 : i32
    scf.if %cond3A_121 {
      %add3A_122 = arith.constant 1 : i32
      %add3A_123 = vector.broadcast %add3A_122 : i32 to vector<16xi32>
      %add3A_124 = arith.addi %get3A_52, %add3A_123 : vector<16xi32>
      %swap3A = arith.constant 0 : index
      %swap3A_125 = tpu.vector_load %arg9[%swap3A] {strides = array<i32>} : memref<16xi32, #tpu.memory_space<vmem>>, vector<16xi32>,
      tpu.vector_store %arg9[%swap3A], %add3A_124 {strides = array<i32>} : memref<16xi32, #tpu.memory_space<vmem>>, vector<16xi32>,
      "tpu.region"() ({
        %run_scoped3A = tpu.sem_alloc : memref<!tpu.dma_semaphore, #tpu.memory_space<semaphore_mem>>
        tpu.enqueue_dma source(%arg9 : memref<16xi32, #tpu.memory_space<vmem>>) target(%arg5 : memref<16xi32, #tpu.memory_space<hbm>>) target_semaphore(%run_scoped3A : memref<!tpu.dma_semaphore, #tpu.memory_space<semaphore_mem>>)
        tpu.wait_dma2 semaphore(%run_scoped3A : memref<!tpu.dma_semaphore, #tpu.memory_space<semaphore_mem>>) src(%arg9 : memref<16xi32, #tpu.memory_space<vmem>>) dst(%arg5 : memref<16xi32, #tpu.memory_space<hbm>>)
        tpu.yield
      }) : () -> ()
    } else {
    }
    return
  }
}

</mosaic_0001>

<sc_bundles>
// kernel: _prepend_cls.3.cloned.1.call-start
scs
__scs_entry_jumppad:
0x0: {  	(pc) =	sbr.rel $0x88, $3  }
0x1: {  	(tag) =	ssettag $0x0;
	lr =	simm.s32 $0x1  }
0x2: {  	[smem:$0x3F9F] =	sst lr;
	_ =	strace $0xD0000000  }
0x3: {  	_ = 	snop  }
0x4: {  	_ = 	snop  }
0x5: {  	_ = 	snop  }
0x6: {  	_ = 	snop  }
0x7: {  	_ = 	snop  }
__scs_overlays_trampoline_lowered:
0x8: {  	[smem:$0x3FAE] =	sst s0  }
0x9: {  	[smem:$0x3FAF] =	sst s1  }
0xa: {  	[smem:$0x3FB0] =	sst s2  }
0xb: {  	[smem:$0x3FB1] =	sst s3  }
0xc: {  	[smem:$0x3FB2] =	sst s4  }
0xd: {  	[smem:$0x3FB3] =	sst s5  }
0xe: {  	[smem:$0x3FB4] =	sst s6  }
0xf: {  	[smem:$0x3FB5] =	sst s7  }
0x10: {  	[smem:$0x3FB6] =	sst s8  }
0x11: {  	[smem:$0x3FB7] =	sst s9;
	s0 =	simm.s32 @!p0 $0x0  }
0x12: {  	s1 =	sld [smem:$0x3F9D];
	s0 =	simm.s32 @p0 $0x1  }
0x13: {  	[smem:$0x3FB8] =	sst s0;
	s0 =	simm.s32 @!p1 $0x0  }
0x14: {  	s2 =	sld [smem:$0x3F9C];
	s0 =	simm.s32 @p1 $0x1  }
0x15: {  	[smem:$0x3FB9] =	sst s0;
	s0 =	simm.s32 @!p2 $0x0  }
0x16: {  	s3 =	sld [smem:$0x3FDB];
	s0 =	simm.s32 @p2 $0x1  }
0x17: {  	s4 =	simm.s32 $0x1BF5;
	[smem:$0x3FBB] =	sst s0  }
0x18: {  	s0 =	sld [smem:$0x3F9E];
	_ =	swait.ge [sflag:s4], $0x0  }
0x19: {  	s7 =	sld [smem:$0x3F9F]  }
0x1a: {  	s8 =	sadd.s32 $0xFFFFE003, lr  }
0x1b: {  	s9 =	sadd.s32 $0xFFFFFEF7, lr;
	s5 =	simm.s32 $0xFFFFFFFF;
	p2 =	slt.u32 s8, $0xFFFFF086  }
0x1c: {  	p1 =	slt.u32 s9, $0xF7A;
	s5 =	simm.s32 @!p2 $0x0  }
0x1d: {  	s5 =	simm.s32 @p1 $0x1;
	p0 =	seq.s32 s7, s2  }
0x1e: {  	s7 =	smul.u32 @!p0 $0xF7A, s2;
	p2 =	seq.s32 @!p0 s5, $0x0  }
0x1f: {  	s9 =	smul.u32 $0xF7A, s1;
	s8 =	simm.s32 @!p0 $0x1BF5;
	p2 =	por !p2, p0  }
0x20: {  	[sflag:s8] =	ssyncset.s32 @!p0 $0xFFFFF086;
	s6 =	sadd.s32 @!p0 s3, s7;
	s7 =	simm.s32 @!p0 $0x108  }
0x21: {  	s3 =	sadd.s32 s3, s9;
	s6 =	sadd.s32 @!p0 $0x88, s6;
	s7 =	simm.s32 @p2 $0x1082  }
0x22: {  	[simem:s7], [sflag:s8] =	dma.local @!p0 [hbm:s6], $0xF7A  }
0x23: {  	s9 =	sor.u32 $0xD0000000, s2;
	s6 =	simm.s32 $0x108;
	_ =	swait.ge @!p0 [sflag:s8], $0x0  }
0x24: {  	s3 =	sadd.s32 $0x88, s3;
	s6 =	simm.s32 @!p1 $0x1082;
	[sflag:s4] =	ssyncset.s32 $0xFFFFF086  }
0x25: {  	[simem:s6], [sflag:s4] =	dma.local [hbm:s3], $0xF7A  }
0x26: {  	[smem:$0x3F9F] =	sst s1;
	(tag) =	ssettag s2;
	_ =	strace s9  }
0x27: {  	s1 =	sld [smem:$0x3FAF]  }
0x28: {  	s2 =	sld [smem:$0x3FB0]  }
0x29: {  	s4 =	sld [smem:$0x3FB2]  }
0x2a: {  	p0 =	seq.s32 s5, $0x0;
	s5 =	sld [smem:$0x3FB3]  }
0x2b: {  	s6 =	sld [smem:$0x3FB4]  }
0x2c: {  	s7 =	sld [smem:$0x3FB5]  }
0x2d: {  	s3 =	simm.s32 $0x108;
	s8 =	sld [smem:$0x3FB6]  }
0x2e: {  	s3 =	simm.s32 @!p0 $0x1082;
	s9 =	sld [smem:$0x3FB7]  }
0x2f: {  	lr =	sadd.s32 s0, s3;
	s0 =	sld [smem:$0x3FAE]  }
0x30: {  	s3 =	sld [smem:$0x3FB1]  }
0x31: {  	[smem:$0x3FBA] =	sst s10  }
0x32: {  	s10 =	sld [smem:$0x3FB8];
	_ =	sdelay $0x3  }
0x33: {  	p0 =	seq.s32 s10, $0x1;
	s10 =	sld [smem:$0x3FBA];
	_ =	sdelay $0x3  }
0x34: {  	[smem:$0x3FBA] =	sst s10  }
0x35: {  	s10 =	sld [smem:$0x3FB9];
	_ =	sdelay $0x3  }
0x36: {  	p1 =	seq.s32 s10, $0x1;
	s10 =	sld [smem:$0x3FBA];
	_ =	sdelay $0x3  }
0x37: {  	[smem:$0x3FBA] =	sst s10  }
0x38: {  	s10 =	sld [smem:$0x3FBB]  }
0x39: {  	_ = 	snop;
	(pc) =	sbr.ind lr, $3  }
0x3a: {  	_ = 	snop  }
0x3b: {  	_ = 	snop  }
0x3c: {  	p2 =	seq.s32 s10, $0x1;
	s10 =	sld [smem:$0x3FBA]  }
0x3d: {  	_ =	shalt  }
0x3e: {  	_ =	shalt  }
0x3f: {  	_ =	shalt  }
0x40: {  	_ =	shalt  }
0x41: {  	_ =	shalt  }
0x42: {  	_ =	shalt  }
0x43: {  	_ =	shalt  }
0x44: {  	_ =	shalt  }
0x45: {  	_ =	shalt  }
0x46: {  	_ =	shalt  }
0x47: {  	_ =	shalt  }
0x48: {  	_ =	shalt  }
0x49: {  	_ =	shalt  }
0x4a: {  	_ =	shalt  }
0x4b: {  	_ =	shalt  }
0x4c: {  	_ =	shalt  }
0x4d: {  	_ =	shalt  }
0x4e: {  	_ =	shalt  }
0x4f: {  	_ =	shalt  }
0x50: {  	_ =	shalt  }
0x51: {  	_ =	shalt  }
0x52: {  	_ =	shalt  }
0x53: {  	_ =	shalt  }
0x54: {  	_ =	shalt  }
0x55: {  	_ =	shalt  }
0x56: {  	_ =	shalt  }
0x57: {  	_ =	shalt  }
0x58: {  	_ =	shalt  }
0x59: {  	_ =	shalt  }
0x5a: {  	_ =	shalt  }
0x5b: {  	_ =	shalt  }
0x5c: {  	_ =	shalt  }
0x5d: {  	_ =	shalt  }
0x5e: {  	_ =	shalt  }
0x5f: {  	_ =	shalt  }
0x60: {  	_ =	shalt  }
0x61: {  	_ =	shalt  }
0x62: {  	_ =	shalt  }
0x63: {  	_ =	shalt  }
0x64: {  	_ =	shalt  }
0x65: {  	_ =	shalt  }
0x66: {  	_ =	shalt  }
0x67: {  	_ =	shalt  }
0x68: {  	_ =	shalt  }
0x69: {  	_ =	shalt  }
0x6a: {  	_ =	shalt  }
0x6b: {  	_ =	shalt  }
0x6c: {  	_ =	shalt  }
0x6d: {  	_ =	shalt  }
0x6e: {  	_ =	shalt  }
0x6f: {  	_ =	shalt  }
0x70: {  	_ =	shalt  }
0x71: {  	_ =	shalt  }
0x72: {  	_ =	shalt  }
0x73: {  	_ =	shalt  }
0x74: {  	_ =	shalt  }
0x75: {  	_ =	shalt  }
0x76: {  	_ =	shalt  }
0x77: {  	_ =	shalt  }
0x78: {  	_ =	shalt  }
0x79: {  	_ =	shalt  }
0x7a: {  	_ =	shalt  }
0x7b: {  	_ =	shalt  }
0x7c: {  	_ =	shalt  }
0x7d: {  	_ =	shalt  }
0x7e: {  	_ =	shalt  }
0x7f: {  	_ =	shalt  }
0x80: {  	_ =	shalt  }
0x81: {  	_ =	shalt  }
0x82: {  	_ =	shalt  }
0x83: {  	_ =	shalt  }
0x84: {  	_ =	shalt  }
0x85: {  	_ =	shalt  }
0x86: {  	_ =	shalt  }
0x87: {  	_ =	shalt  }
.Lfunc_end0:
.L_simem_size_0:
called_computation_lowered:
.L_overlay_start_0:
0x88: {  	s2 =	sld [smem:$0x3FD9]  }
0x89: {  	s3 =	sld [smem:$0x3FFE];
	_ =	sdelay $0x1  }
0x8a: {  	s1 =	srdreg.scid  }
0x8b: {  	s0 =	sand.u32 $0x1, s1  }
0x8c: {  	s15 =	sshll.u32 s0, $0xA;
	s2 =	sadd.s32 s3, s2  }
0x8d: {  	s2 =	sadd.s32 s2, s15  }
0x8e: {  	[smem:$0x3FC6] =	sst s2  }
0x8f: {  	_ = 	snop  }
0x90: {  	s2 =	sld [smem:$0x3FD0];
	_ =	sdelay $0x1  }
0x91: {  	s16 =	sld [smem:$0x3FC9]  }
0x92: {  	s5 =	simm.s32 $0xA;
	s6 =	simm.s32 $0x10;
	s4 =	sld [smem:$0x3FC8]  }
0x93: {  	[smem:s6], [sflag:s5] =	dma.local [hbm:s2], $0x1  }
0x94: {  	_ =	swait.eq [sflag:s5], $0x1  }
0x95: {  	[sflag:s5] =	ssyncset.done $0x0  }
0x96: {  	s17 =	sld [smem:$0x10];
	[sflag:s5] =	ssyncadd.s32 $0xFFFFFFFF  }
0x97: {  	s18 =	sld [smem:$0x11];
	(tm) =	ssettm $0x1  }
0x98: {  	s19 =	sld [smem:$0x3FFB];
	_ =	sdelay $0x3  }
0x99: {  	_ =	strace s19  }
0x9a: {  	s6 =	sld [smem:$0x3FFC];
	_ =	sdelay $0x3  }
0x9b: {  	_ =	strace s6  }
0x9c: {  	s6 =	sld [smem:$0x3FFD];
	_ =	sdelay $0x3  }
0x9d: {  	_ =	strace s6  }
0x9e: {  	_ =	strace $0x8FFFFFFF  }
0x9f: {  	s20 =	sld [smem:$0x3FDB];
	_ =	sdelay $0x1  }
0xa0: {  	s7 =	simm.s32 $_scs_section_size  }
0xa1: {  	s8 =	simm.s32 $_size__tile_overlayer_lowered;
	s9 =	simm.s32 $_tile_overlayer_lowered  }
0xa2: {  	s23 =	simm.s32 $0x1BFF;
	s22 =	sshll.u32 s9, $0x1;
	s6 =	sadd.s32 s7, s20  }
0xa3: {  	s10 =	simm.s32 $0x0;
	s21 =	sshll.u32 s8, $0x1;
	s8 =	sadd.s32 s22, s6  }
0xa4: {  	[timem:s10], [sflag:s23] =	dma.local [hbm:s8], s21  }
0xa5: {  	_ =	swait.ge [sflag:s23], s21  }
0xa6: {  	s7 =	ssub.s32 $0x0, s21;
	[sflag:s23] =	ssyncset.done $0x0  }
0xa7: {  	[sflag:s23] =	ssyncadd.s32 s7;
	_ =	sdelay $0x1  }
0xa8: {  	s24 =	simm.s32 $0x1B8B  }
0xa9: {  	_ =	swait.ge [sflag:s24], $0x1  }
0xaa: {  	[sflag:s24] =	ssyncset.done $0x0  }
0xab: {  	s25 =	simm.s32 $0x1B8E;
	[sflag:s24] =	ssyncadd.s32 $0xFFFFFFFF  }
0xac: {  	s26 =	simm.s32 $execute0_lowered;
	[smem:$0x3FD2] =	sst s25  }
0xad: {  	s7 =	sshll.u32 s26, $0x1;
	_ =	strace $0x80000046;
	[dreg:$0x1] =	wrdreg $0xFFFFFFFF  }
0xae: {  	s28 =	simm.s32 $_size_execute0_lowered;
	s6 =	sadd.s32 s6, s7;
	[dreg:$0x0] =	wrdreg $0x0  }
0xaf: {  	s7 =	sshll.u32 s28, $0x1;
	[dreg:$0x2] =	wrdreg s6  }
0xb0: {  	[dreg:$0x3] =	wrdreg s7  }
0xb1: {  	[dreg:$0x4] =	wrdreg $0xC0  }
0xb2: {  	_ =	task [dreg:s10], $0x5FFFF  }
0xb3: {  	[dreg:$0x1] =	wrdreg $0xFFFFFFFF  }
0xb4: {  	[dreg:$0x0] =	wrdreg $0x60  }
0xb5: {  	[dreg:$0x2] =	wrdreg s16  }
0xb6: {  	[dreg:$0x3] =	wrdreg s4  }
0xb7: {  	[dreg:$0x4] =	wrdreg s17  }
0xb8: {  	[dreg:$0x5] =	wrdreg s18  }
0xb9: {  	[dreg:$0x6] =	wrdreg $0x9  }
0xba: {  	_ =	task.clear_ibuf [dreg:s10], $0x7FFFF;
	_ =	strace $0x90000046  }
0xbb: {  	s29 =	simm.s32 $0x9;
	_ =	strace $0x80000048  }
0xbc: {  	_ =	swait.ge [sflag:s29], $0x1  }
0xbd: {  	[sflag:s29] =	ssyncadd.s32 $0xFFFFFFFF  }
0xbe: {  	_ =	strace $0x90000048  }
0xbf: {  	_ =	sfence  }
0xc0: {  	s30 =	sld [smem:$0x0];
	_ =	sdelay $0x2  }
0xc1: {  	s31 =	sshll.u32 s1, $0xD;
	s1 =	sshrl.u32 s1, $0x2  }
0xc2: {  	s3 =	sand.u32 $0x4000, s31;
	s1 =	sadd.s32 s1, s30  }
0xc3: {  	s0 =	sor.u32 s3, s0;
	s1 =	sshll.u32 s1, $0x11  }
0xc4: {  	s0 =	sor.u32 s1, s0  }
0xc5: {  	s0 =	sadd.s32 $0x8F2B, s0  }
0xc6: {  	[sflag:s0] =	ssyncadd.remote.s32 $0x1  }
0xc7: {  	_ =	sfence.sel $0xFFFF  }
0xc8: {  	[dreg:$0x0] =	wrdreg $0xFFFFFFFF;
	(pc) =	sbr.abs _section_cstart, $3  }
0xc9: {  	[dreg:$0x1] =	wrdreg $0xFFFFFFFF  }
0xca: {  	_ =	task.clear_ibuf [dreg:s10], $0x2FFFF;
	_ =	strace $0x9FFFFFFF  }
0xcb: {  	(tm) =	ssettm $0x7FFFFFFF  }
tec
execute0_lowered:
.L_overlay_start_1:
0x0: {  	(tag) =	ssettag $0x1  }
0x1: {  	s1 =	srdreg.scid  }
0x2: {  	s0 =	stileid.u32;
	s9 =	sand.u32 $0x1, s1  }
0x3: {  	s2 =	sshll.u32 s0, $0xB;
	s1 =	sshll.u32 s9, $0xF  }
0x4: {  	s11 =	sor.u32 s2, s1  }
0x5: {  	s5 =	rddreg [dreg:$0x0];
	s1 =	smul.u32 $0xFFF1, s11  }
0x6: {  	s4 =	simm.s32 $0x1;
	s10 =	rddreg [dreg:$0x2]  }
0x7: {  	p6 =	sne.s32 s0, $0xF;
	s12 =	ssub.s32 $0x2, s9;
	s7 =	sshrl.u32 s1, $0x1C  }
0x8: {  	p5 =	seq.s32 s9, $0x0;
	s31 =	sor.u32 s9, s0;
	s8 =	sxor.u32 $0xFFFFFFFF, s7  }
0x9: {  	s13 =	sshrl.u32 s12, $0x1;
	s1 =	sand.u32 $0x7, s7;
	s2 =	sadd.s32 s8, s11  }
0xa: {  	p3 =	sne.s32 s31, $0x0;
	p1 =	sne.s32 s1, $0x7;
	p0 =	slt.s32 s2, $0x1  }
0xb: {  	s12 =	ssub.s32 s12, s13;
	s3 =	sshrl.u32 s2, $0x1D;
	p0 =	por !p0, !p1  }
0xc: {  	s30 =	sshrl.u32 s11, $0x3;
	s2 =	sadd.s32 s3, s2;
	p0 =	por !p0, !p0  }
0xd: {  	s9 =	smax.u32 s12, $0x1;
	s2 =	sshrl.u32 s2, $0x3;
	s4 =	simm.s32 @!p0 $0x0  }
0xe: {  	v7 =	vlaneseq.u32;
	s14 =	smul.u32 $0x1001, s7;
	s15 =	sadd.s32 $0x1, s7;
	s6 =	ssub.s32 s2, s4  }
0xf: {  	v0 =	vor.u32 $0x800, v7;
	v1 =	vmov s7;
	s7 =	sadd.s32 $0x1F00, s10;
	s1 =	rddreg [dreg:$0x1];
	s6 =	sshll.u32 s6, $0x3  }
0x10: {  	v0 =	vadd.s32 s11, v0;
	s28 =	smin.u32 s15, $0xF;
	s16 =	sadd.s32 $0x1001, s14;
	p0 =	sgt.s32 s6, $0x0  }
0x11: {  	v2 =	vimm.s32 $0x0;
	s3 =	rddreg [dreg:$0x3];
	vm0 =	vge.u32 v0, s16;
	s29 =	ssub.s32 s16, s11;
	s6 =	simm.s32 @!p0 $0x0  }
0x12: {  	v7 =	vor.u32 s11, v7;
	v5 =	vmov s14;
	p1 =	sne.s32 s11, $0x0;
	v6 =	vsel vm0, $0xFFFFFFFF, v2;
	s4 =	simm.s32 $0x0;
	s26 =	smin.u32 s6, $0xF7E0  }
0x13: {  	v3 =	vmov s28;
	v5 =	vadd.s32 $0x1, v5;
	s11 =	simm.s32 $0x0;
	v8 =	vadd.s32 v6, v0;
	[smem:$0x7FF] =	sst s4;
	s13 =	ssub.s32 s8, s26  }
0x14: {  	v4 =	vmov s16;
	v5 =	vbroadcast v5, $0x0;
	p2 =	sgt.s32 s29, $0x80F;
	s2 =	rddreg [dreg:$0x4];
	_ =	strace $0x80000047;
	v9 =	vadd.s32 s13, v8  }
0x15: {  	v10 =	vmov s29;
	v6 =	vadd.s32 $0x1, v4;
	p0 =	por p5, p6;
	s6 =	sshrl.u32 s26, $0x3;
	s8 =	sadd.s32 s10, s30;
	vm0 =	vgt.s32 v9, $0x0  }
0x16: {  	s10 =	simm.s32 $0x80;
	s5 =	sadd.s32 s5, s6;
	s6 =	simm.s32 $0x1;
	v8 =	vmov s13;
	v9 =	vnsel vm0, $0x0, v9;
	vm0 =	vge.u32 v0, v4  }
.LBB2_1:
0x17: {  	[tilespmem:s4], [sflag:$0x1] =	stream.linear.gather [hbm4b:s1+s4], $0x80, $0x38;
	[tilespmem:$0x1200] =	vst v63  }
0x18: {  	_ = 	snop  }
0x19: {  	[tilespmem:s10], [sflag:$0x1] =	stream.linear.gather [hbm4b:s5+s4], $0x820, $0x38;
	[tilespmem:$0x1200] =	vst v63  }
0x1a: {  	_ =	swait.ge [sflag:s6], $0x80  }
0x1b: {  	[sflag:s6] =	ssyncset.done $0x0  }
0x1c: {  	s12 =	simm.s32 $0x10;
	[sflag:s6] =	ssyncadd.s32 $0xFFFFFF80  }
0x1d: {  	s13 =	simm.s32 $0x30;
	v14 =	vor.u32 s4, v7;
	s26 =	simm.s32 $0x20;
	_ =	swait.ge [sflag:s6], $0x820  }
0x1e: {  	s30 =	simm.s32 $0x70;
	v15 =	vor.u32 s12, v7;
	v16 =	vor.u32 s13, v7;
	v17 =	vor.u32 s26, v7;
	[sflag:s6] =	ssyncset.done $0x0  }
0x1f: {  	vm4 =	vge.u32 v14, v4;
	v24 =	vadd.s32 v8, v14;
	v60 =	vor.u32 s30, v7;
	[sflag:s6] =	ssyncadd.s32 $0xFFFFF7E0  }
0x20: {  	vm2 =	vge.u32 v15, v4;
	vm1 =	vge.u32 v16, v4;
	vm3 =	vge.u32 v17, v4;
	v11 =	vld [tilespmem:$0x0]  }
0x21: {  	v18 =	vadd.s32 v8, v16;
	v22 =	vadd.s32 v8, v15;
	v23 =	vadd.s32 v8, v17  }
0x22: {  	v19 =	vsel vm1, $0xFFFFFFFF, v2;
	v20 =	vsel vm2, $0xFFFFFFFF, v2;
	v21 =	vsel vm3, $0xFFFFFFFF, v2  }
0x23: {  	v18 =	vadd.s32 v19, v18;
	v19 =	vsel vm4, $0xFFFFFFFF, v2;
	v20 =	vadd.s32 v20, v22  }
0x24: {  	v21 =	vadd.s32 v21, v23;
	vm5 =	vgt.s32 v18, $0x0;
	v19 =	vadd.s32 v19, v24  }
0x25: {  	vm6 =	vgt.s32 v21, $0x0;
	v18 =	vnsel vm5, $0x0, v18;
	v13 =	vperm.xlane v11, v3  }
0x26: {  	vm5 =	vgt.s32 v20, $0x0;
	vm7 =	vgt.s32 v19, $0x0;
	v12 =	vperm.xlane v11, v1  }
0x27: {  	v21 =	vnsel vm6, $0x0, v21;
	v20 =	vnsel vm5, $0x0, v20;
	v13 =	vadd.s32 v13, v6  }
0x28: {  	v19 =	vnsel vm7, $0x0, v19;
	v12 =	vadd.s32 v12, v5;
	vm5 =	vlt.s32 v15, v13  }
0x29: {  	vm6 =	vlt.s32 v17, v13;
	vm7 =	vlt.s32 v14, v13;
	vm2 =	vmand vm2, vm5  }
0x2a: {  	s28 =	simm.s32 $0x40;
	vm3 =	vmand vm3, vm6;
	vm4 =	vmand vm4, vm7;
	vm5 =	vlt.s32 v15, v12  }
0x2b: {  	vm6 =	vlt.s32 v17, v12;
	vm7 =	vlt.s32 v14, v12;
	v15 =	vor.u32 s28, v7  }
0x2c: {  	v18 =	vld.idx.msk [tilespmem:v18+s10+$0x0], $0xffff;
	v14 =	vadd.s32 v8, v60;
	vm2 =	vmor vm5, vm2;
	vm5 =	vlt.s32 v16, v13  }
0x2d: {  	s29 =	simm.s32 $0x50;
	vm6 =	vmor vm6, vm3;
	vm3 =	vlt.s32 v16, v12;
	vm4 =	vmor vm7, vm4  }
0x2e: {  	v16 =	vor.u32 s29, v7;
	vm7 =	vge.u32 v15, v4;
	v63 =	vadd.s32 v8, v15  }
0x2f: {  	vm10 =	vlt.s32 v15, v12;
	vm1 =	vmand vm1, vm5;
	v26 =	vadd.s32 v8, v16  }
0x30: {  	vm5 =	vmor vm3, vm1;
	vm3 =	vmmov vm2;
	vm2 =	vmmov vm6  }
0x31: {  	s31 =	simm.s32 $0x60;
	vm1 =	vmmov vm4;
	vm4 =	vge.u32 v60, v4;
	v61 =	vnsel vm5, $0x0, v18  }
0x32: {  	vm5 =	vge.u32 v16, v4;
	v18 =	vor.u32 s31, v7;
	v17 =	vsel vm4, $0xFFFFFFFF, v2  }
0x33: {  	vm6 =	vge.u32 v18, v4;
	v62 =	vsel vm5, $0xFFFFFFFF, v2;
	v14 =	vadd.s32 v17, v14  }
0x34: {  	v17 =	vsel vm7, $0xFFFFFFFF, v2;
	v25 =	vsel vm6, $0xFFFFFFFF, v2;
	vm8 =	vgt.s32 v14, $0x0  }
0x35: {  	v24 =	vadd.s32 v62, v26;
	v27 =	vnsel vm8, $0x0, v14;
	v14 =	vadd.s32 v8, v18  }
0x36: {  	v20 =	vld.idx.msk [tilespmem:v20+s10+$0x0], $0xffff;
	v17 =	vadd.s32 v17, v63;
	vm8 =	vgt.s32 v24, $0x0;
	v14 =	vadd.s32 v25, v14  }
0x37: {  	v24 =	vnsel vm8, $0x0, v24;
	vm8 =	vgt.s32 v17, $0x0;
	vm9 =	vgt.s32 v14, $0x0  }
0x38: {  	v21 =	vld.idx.msk [tilespmem:v21+s10+$0x0], $0xffff;
	v17 =	vnsel vm8, $0x0, v17;
	vm8 =	vlt.s32 v16, v13;
	v25 =	vnsel vm9, $0x0, v14  }
0x39: {  	vm14 =	vlt.s32 v18, v13;
	vm5 =	vmand vm5, vm8;
	vm8 =	vlt.s32 v15, v13;
	v14 =	vld.idx.msk [tilespmem:v19+s10+$0x0], $0xffff  }
0x3a: {  	vm15 =	vlt.s32 v18, v12;
	vm8 =	vmand vm7, vm8;
	vm7 =	vlt.s32 v16, v12  }
0x3b: {  	s12 =	simm.s32 $0x920;
	vm6 =	vmand vm6, vm14;
	v19 =	vnsel vm3, $0x0, v20;
	v18 =	vld.idx.msk [tilespmem:v27+s10+$0x0], $0xffff;
	vm7 =	vmor vm7, vm5  }
0x3c: {  	[tilespmem:s12+$0x10] =	vst v61;
	vm5 =	vmor vm15, vm6;
	vm6 =	vmor vm10, vm8;
	vm8 =	vlt.s32 v60, v13;
	v15 =	vld.idx.msk [tilespmem:v24+s10+$0x0], $0xffff  }
0x3d: {  	s14 =	simm.s32 $0x80;
	s13 =	simm.s32 $0x4;
	vm3 =	vlt.s32 v60, v12;
	[tilespmem:s12+$0xFFFFFFF0] =	vst v19;
	v19 =	vnsel vm2, $0x0, v21;
	vm4 =	vmand vm4, vm8;
	v16 =	vld.idx.msk [tilespmem:v25+s10+$0x0], $0xffff  }
.LBB2_2:
0x3e: {  	v20 =	vor.u32 s14, v7;
	vm4 =	vmor vm3, vm4;
	v21 =	vnsel vm1, $0x0, v14  }
0x3f: {  	s15 =	sadd.s32 $0x10, s14;
	s16 =	sadd.s32 $0x30, s14;
	s13 =	sadd.s32 $0x4, s13;
	v14 =	vld.idx.msk [tilespmem:v17+s10+$0x0], $0xffff;
	[tilespmem:s12+$0x0] =	vst v19;
	vm3 =	vmmov vm7;
	vm2 =	vmmov vm5;
	vm1 =	vmmov vm6  }
0x40: {  	v19 =	vor.u32 s15, v7;
	s15 =	sadd.s32 $0x20, s14;
	v22 =	vor.u32 s16, v7;
	p4 =	slt.u32 s13, $0x7C;
	v17 =	vnsel vm4, $0x0, v18;
	[tilespmem:s12+$0xFFFFFFE0] =	vst v21;
	s12 =	sadd.s32 $0x40, s12  }
0x41: {  	vm5 =	vge.u32 v19, v4;
	v21 =	vor.u32 s15, v7;
	vm4 =	vge.u32 v22, v4;
	[tilespmem:s12+$0x10] =	vst v17  }
0x42: {  	v17 =	vadd.s32 v8, v22;
	vm6 =	vge.u32 v21, v4;
	v18 =	vsel vm4, $0xFFFFFFFF, v2  }
0x43: {  	vm7 =	vge.u32 v20, v4;
	v23 =	vsel vm5, $0xFFFFFFFF, v2;
	v17 =	vadd.s32 v18, v17  }
0x44: {  	v18 =	vsel vm7, $0xFFFFFFFF, v2;
	v24 =	vsel vm6, $0xFFFFFFFF, v2;
	vm8 =	vgt.s32 v17, $0x0  }
0x45: {  	v25 =	vadd.s32 v8, v19;
	v26 =	vadd.s32 v8, v21;
	v27 =	vnsel vm8, $0x0, v17  }
0x46: {  	v23 =	vadd.s32 v23, v25;
	v24 =	vadd.s32 v24, v26;
	v17 =	vadd.s32 v8, v20  }
0x47: {  	vm8 =	vgt.s32 v23, $0x0;
	vm9 =	vgt.s32 v24, $0x0;
	v17 =	vadd.s32 v18, v17  }
0x48: {  	v23 =	vnsel vm8, $0x0, v23;
	v24 =	vnsel vm9, $0x0, v24;
	vm10 =	vgt.s32 v17, $0x0  }
0x49: {  	vm8 =	vlt.s32 v19, v13;
	vm9 =	vlt.s32 v21, v13;
	v17 =	vnsel vm10, $0x0, v17  }
.Ltmp0:
0x4a: {  	vm5 =	vmand vm5, vm8;
	vm6 =	vmand vm6, vm9;
	vm10 =	vlt.s32 v20, v13;
	v18 =	vld.idx.msk [tilespmem:v27+s10+$0x0], $0xffff;
	(pc) =	sbr.rel @p4 .LBB2_2-.Ltmp0, $4  }
0x4b: {  	vm9 =	vlt.s32 v21, v12;
	vm8 =	vmand vm7, vm10;
	vm7 =	vlt.s32 v19, v12  }
0x4c: {  	vm10 =	vlt.s32 v20, v12;
	vm7 =	vmor vm7, vm5;
	vm5 =	vmor vm9, vm6  }
0x4d: {  	v19 =	vnsel vm3, $0x0, v15;
	vm6 =	vmor vm10, vm8;
	vm8 =	vlt.s32 v22, v13;
	v15 =	vld.idx.msk [tilespmem:v23+s10+$0x0], $0xffff  }
0x4e: {  	s14 =	sadd.s32 $0x40, s14;
	vm3 =	vlt.s32 v22, v12;
	vm4 =	vmand vm4, vm8;
	[tilespmem:s12+$0xFFFFFFF0] =	vst v19;
	v19 =	vnsel vm2, $0x0, v16;
	v16 =	vld.idx.msk [tilespmem:v24+s10+$0x0], $0xffff  }
0x4f: {  	_ =	sdelay $0x3  }
0x50: {  	v17 =	vld.idx.msk [tilespmem:v17+s10+$0x0], $0xffff  }
0x51: {  	vm2 =	vmor vm3, vm4;
	v14 =	vnsel vm1, $0x0, v14;
	[tilespmem:s12+$0x0] =	vst v19  }
0x52: {  	vm1 =	vmmov vm7;
	s31 =	sadd.s32 $0x40, s12;
	v18 =	vnsel vm2, $0x0, v18;
	[tilespmem:s12+$0xFFFFFFE0] =	vst v14  }
0x53: {  	vm2 =	vmmov vm5;
	[tilespmem:s31+$0x10] =	vst v18;
	v60 =	vnsel vm1, $0x0, v15  }
0x54: {  	vm1 =	vmmov vm6;
	[tilespmem:s31+$0xFFFFFFF0] =	vst v60;
	v61 =	vnsel vm2, $0x0, v16  }
0x55: {  	v62 =	vnsel vm1, $0x0, v17;
	[tilespmem:s31+$0x0] =	vst v61  }
0x56: {  	[tilespmem:s31+$0xFFFFFFE0] =	vst v62  }
0x57: {  	v14 =	vld.idx.msk [tilespmem:v9+s10+$0x0], $0xffff;
	_ =	sdelay $0x1  }
0x58: {  	vm1 =	vlt.s32 v0, v13;
	v13 =	vimm.s32 @!p1 $0x0  }
0x59: {  	vm2 =	vlt.s32 v0, v12;
	vm1 =	vmand vm0, vm1  }
0x5a: {  	vm1 =	vmor vm2, vm1  }
0x5b: {  	v63 =	vnsel vm1, $0x0, v14  }
0x5c: {  	s12 =	simm.s32 @!p1 $0x900;
	v12 =	vimm.s32 @!p1 $0x1;
	[tilespmem:$0x1100] =	vst v63  }
0x5d: {  	[tilespmem:v13+s12+$0x0] =	vst.idx.msk @!p1 $0x1, v12;
	v12 =	vimm.s32 @!p2 $0x1;
	s12 =	simm.s32 @!p2 $0x900  }
0x5e: {  	s13 =	simm.s32 @p0 $0x900;
	[tilespmem:v10+s12+$0x0] =	vst.idx.msk @!p2 $0x1, v12;
	s12 =	simm.s32 @p0 $0x0  }
0x5f: {  	[hbm4b:s8+s12] =	stream.linear.scatter @p0 [tilespmem:s13], [sflag:$0x2], $0x800, $0x38;
	[tilespmem:$0x1200] =	vst v63  }
0x60: {  	s12 =	simm.s32 @p0 $0x2  }
0x61: {  	_ =	swait.ge @p0 [sflag:s12], $0x800  }
0x62: {  	[sflag:s12] =	ssyncset.done @p0 $0x0  }
0x63: {  	s13 =	simm.s32 @!p0 $0x900;
	[sflag:s12] =	ssyncadd.s32 @p0 $0xFFFFF800;
	s12 =	simm.s32 @!p0 $0x0  }
0x64: {  	[hbm4b:s7+s12] =	stream.linear.scatter @!p0 [tilespmem:s13], [sflag:$0x2], $0x810, $0x38;
	[tilespmem:$0x1200] =	vst v63  }
0x65: {  	s12 =	simm.s32 @!p0 $0x2  }
0x66: {  	_ =	swait.ge @!p0 [sflag:s12], $0x810  }
0x67: {  	[sflag:s12] =	ssyncset.done @!p0 $0x0  }
0x68: {  	v11 =	vadd.s32 @!p3 $0x1, v11;
	s11 =	sadd.s32 $0x1, s11;
	[sflag:s12] =	ssyncadd.s32 @!p0 $0xFFFFF7F0  }
0x69: {  	p4 =	sne.s32 s11, s9;
	s13 =	simm.s32 @!p3 $0x1180;
	s12 =	simm.s32 @!p3 $0x0;
	[tilespmem:$0x1180] =	vst @!p3 v11  }
0x6a: {  	[hbm4b:s3+s12] =	stream.linear.scatter @!p3 [tilespmem:s13], [sflag:$0x2], $0x80, $0x38;
	[tilespmem:$0x1200] =	vst v63  }
.Ltmp1:
0x6b: {  	_ = 	snop;
	(pc) =	sbr.rel @p4 .LBB2_1-.Ltmp1, $4  }
0x6c: {  	s12 =	simm.s32 @!p3 $0x2  }
0x6d: {  	_ =	swait.ge @!p3 [sflag:s12], $0x80  }
0x6e: {  	[sflag:s12] =	ssyncset.done @!p3 $0x0  }
0x6f: {  	[sflag:s12] =	ssyncadd.s32 @!p3 $0xFFFFFF80  }
0x70: {  	_ =	sfence.sel $0x180000  }
0x71: {  	[bflag:$0x0] =	sbarrier.arrive $0xFFFF  }
0x72: {  	p0 =	sne.s32 s0, $0x0;
	_ =	strace $0x90000047  }
0x73: {  	s0 =	sadd.s32 @!p0 $0x100000, s2;
	[bflag:$0x2] =	sbarrier.arrive $0xFFFF  }
0x74: {  	[sflag:s0] =	ssyncadd.tile.s32 @!p0 $0x1;
	_ =	shalt  }
.Lfunc_end2:
_tile_overlayer_lowered:
.L_overlay_start_2:
0x75: {  	(tag) =	ssettag $0x2  }
0x76: {  	s0 =	rddreg [dreg:$0x0];
	s2 =	stileid.u32  }
0x77: {  	s1 =	rddreg [dreg:$0x1];
	p0 =	sne.s32 s2, $0x0  }
0x78: {  	s3 =	rddreg [dreg:$0x2];
	[bflag:$0x3] =	sbarrier.arrive $0xFFFF;
	s2 =	simm.s32 @!p0 $0x1C02  }
0x79: {  	[timem:s3], [sflag:s2] =	dma.local @!p0 [hbm:s0], s1  }
0x7a: {  	s0 =	simm.s32 @!p0 $0x2  }
0x7b: {  	_ =	swait.ge @!p0 [sflag:s0], s1  }
0x7c: {  	s1 =	ssub.s32 @!p0 $0x0, s1;
	[sflag:s0] =	ssyncset.done @!p0 $0x0  }
0x7d: {  	[sflag:s0] =	ssyncadd.s32 @!p0 s1  }
0x7e: {  	[bflag:$0x3] =	sbarrier.arrive $0xFFFF  }
0x7f: {  	_ =	shalt  }

</sc_bundles>
